<compile_context>
chip_gen: v7x
topology: tpu7x:2x2x1
jax: 0.10.2.dev20260603
libtpu: 0.0.44.dev20260713+nightly
codegen_flags: <defaults>
</compile_context>

<pallas_src>
import jax
import jax.numpy as jnp
from jax import lax
from jax.experimental import pallas as pl
from jax.experimental.pallas import tpu as pltpu
from jax.experimental.pallas import tpu_sc as plsc

_CH = 2000
_GS = 128


def _make_fused(n16, b):
    info = plsc.get_sparse_core_info()
    nc, ns = info.num_cores, info.num_subcores
    nw = nc * ns
    b_per_w = b // nw
    n_shots = b_per_w // _GS
    per_w_chunks = -(-n16 // (_CH * nw))
    if per_w_chunks % 2:
        per_w_chunks += 1
    mesh = plsc.VectorSubcoreMesh(core_axis_name="c", subcore_axis_name="s")

    @pl.kernel(
        mesh=mesh,
        out_type=(
            jax.ShapeDtypeStruct((2, b, 16), jnp.float32),
            jax.ShapeDtypeStruct((n16, 16), jnp.float32),
        ),
        scratch_types=[
            pltpu.VMEM((_GS,), jnp.int32),
            pltpu.VMEM((_GS,), jnp.int32),
            pltpu.VMEM((_GS, 16), jnp.float32),
            pltpu.VMEM((_CH, 16), jnp.float32),
            pltpu.VMEM((_CH, 16), jnp.float32),
            pltpu.SemaphoreType.DMA,
            pltpu.SemaphoreType.DMA,
            pltpu.SemaphoreType.DMA,
        ],
        compiler_params=pltpu.CompilerParams(use_tc_tiling_on_sc=False),
    )
    def fused_k(tbl_hbm, idx_hbm, out_hbm, reg_hbm, idx_v, row_v, got_v,
                buf_a, buf_b, sem_g, sem_a, sem_b):
        wid = lax.axis_index("s") * nc + lax.axis_index("c")

        base = wid * b_per_w

        @pl.loop(0, n_shots)
        def _shot(h):
            pltpu.sync_copy(idx_hbm.at[pl.ds(base + h * _GS, _GS)], idx_v)
            for par in range(2):

                @plsc.parallel_loop(0, _GS // 16, unroll=4)
                def _xform(i):
                    v = idx_v[pl.ds(i * 16, 16)]
                    row_v[pl.ds(i * 16, 16)] = v * 2 + par

                pltpu.async_copy(tbl_hbm.at[row_v], got_v, sem_g).wait()
                pltpu.sync_copy(
                    got_v, out_hbm.at[par, pl.ds(base + h * _GS, _GS)])

        def src(cj):
            return tbl_hbm.at[pl.ds((wid + cj * nw) * _CH, _CH)]

        def dst(cj):
            return reg_hbm.at[pl.ds((wid + cj * nw) * _CH, _CH)]

        def start(cj, buf, sem):
            @pl.when((wid + cj * nw) * _CH < n16)
            def _():
                pltpu.async_copy(src(cj), buf, sem)

        def finish(cj, buf, sem):
            @pl.when((wid + cj * nw) * _CH < n16)
            def _():
                pltpu.make_async_copy(src(cj), buf, sem).wait()

                @plsc.parallel_loop(0, _CH, unroll=8)
                def _row(i):
                    x = buf[i]
                    buf[i] = x * x

                pltpu.sync_copy(buf, dst(cj))

        start(0, buf_a, sem_a)

        @pl.loop(0, per_w_chunks, step=2)
        def _chunks(c):
            start(c + 1, buf_b, sem_b)
            finish(c, buf_a, sem_a)

            @pl.when(c + 2 < per_w_chunks)
            def _():
                start(c + 2, buf_a, sem_a)

            finish(c + 1, buf_b, sem_b)

    return fused_k


def kernel(indices, core_param):
    r1, n, r2 = core_param.shape
    b = indices.shape[0]
    n16 = (r1 * n * r2) // 16
    tbl = core_param.reshape(n16, 16)
    out3, reg2d = _make_fused(n16, b)(tbl, indices.astype(jnp.int32))
    out = jnp.transpose(out3, (1, 0, 2)).reshape(b, r1, r2)
    return out, reg2d.reshape(r1, n, r2)

# --- scband reference (transcript-rebuilt; emitter-appended) ---
"""Pipeline reference for scband-tt-component-28329604285118 (READ-ONLY COPY).

The authoritative reference and input builder live on the scoring server;
editing this copy changes nothing except your own understanding.
"""

import jax, jax.numpy as jnp
import numpy as np

R1 = 1
N = 1000000
R2 = 32
B = 16384
INIT_SCALE = 1.0

def setup_inputs(seed: int = 0) -> dict:
    key = jax.random.key(seed)
    indices = jax.random.randint(jax.random.fold_in(key, 1), (B,), 0, N)
    # core_param initialized as init_scale * ones, matching torch module init
    core_param = INIT_SCALE * jnp.ones((R1, N, R2), dtype=jnp.float32)
    return {"indices": indices, "core_param": core_param}

def reference(indices, core_param):
    # TT_component.forward with prime=False, dual=False, full_grad=False, old_setup=False
    p = core_param
    # reg = p ** 2 (dual=False branch)
    reg = p ** 2
    # indices is 1-D (single mode in n_list), so no unbind
    # permutation_list = [1, 0, -1] -> transpose to [n, r_1, r_2], then gather rows
    permuted = jnp.transpose(p, (1, 0, 2))
    out = permuted[indices]
    return (out, reg)

if __name__ == "__main__":
    import jax
    _d = setup_inputs()
    print(jax.jit(kernel)(*tuple(_d.values())))

</pallas_src>

<mosaic_0001>
#map = affine_map<(d0, d1) -> (0, 0)>
#map1 = affine_map<(d0, d1) -> (0)>
#map2 = affine_map<(d0, d1) -> (0, 0, 0)>
module attributes {stable_mosaic.version = 14 : i64} {
  func.func @fused_k(%arg0: i32, %arg1: i32, %arg2: memref<2000000x16xf32, #tpu.memory_space<hbm>>, %arg3: memref<16384xi32, #tpu.memory_space<hbm>>, %arg4: memref<2x16384x16xf32, #tpu.memory_space<hbm>>, %arg5: memref<2000000x16xf32, #tpu.memory_space<hbm>>, %arg6: memref<128xi32, #tpu.memory_space<vmem>>, %arg7: memref<128xi32, #tpu.memory_space<vmem>>, %arg8: memref<128x16xf32, #tpu.memory_space<vmem>>, %arg9: memref<2000x16xf32, #tpu.memory_space<vmem>>, %arg10: memref<2000x16xf32, #tpu.memory_space<vmem>>, %arg11: memref<!tpu.dma_semaphore, #tpu.memory_space<semaphore_mem>>, %arg12: memref<!tpu.dma_semaphore, #tpu.memory_space<semaphore_mem>>, %arg13: memref<!tpu.dma_semaphore, #tpu.memory_space<semaphore_mem>>) attributes {dimension_semantics = [#tpu.dimension_semantics<core_parallel>, #tpu.dimension_semantics<subcore_parallel>], iteration_bounds = array<i64: 2, 16>, scalar_prefetch = 0 : i64, scratch_operands = 8 : i64, tpu.core_type = #tpu.core_type<sc_vector_subcore>, window_params = [{transform_indices = #map}, {transform_indices = #map1}, {transform_indices = #map2}, {transform_indices = #map}]} {
    %mul3A = arith.constant 2 : i32
    %mul3A_0 = arith.muli %arg1, %mul3A : i32
    %add3A = arith.addi %mul3A_0, %arg0 : i32
    %mul3A_1 = arith.constant 512 : i32
    %mul3A_2 = arith.muli %add3A, %mul3A_1 : i32
    %scan3A = arith.constant 0 : i32
    %scan3A_3 = arith.constant 4 : i32
    %scan3A_4 = arith.addi %scan3A, %scan3A_3 : i32
    %scan3A_5 = arith.constant 1 : i32
    scf.for %scan3A_18 = %scan3A to %scan3A_4 step %scan3A_5  : i32 {
      %mul3A_19 = arith.constant 1 : i32
      %mul3A_20 = arith.muli %scan3A_18, %mul3A_19 : i32
      %add3A_21 = arith.constant 0 : i32
      %add3A_22 = arith.addi %add3A_21, %mul3A_20 : i32
      %mul3A_23 = arith.constant 128 : i32
      %mul3A_24 = arith.muli %add3A_22, %mul3A_23 : i32
      %add3A_25 = arith.addi %mul3A_2, %mul3A_24 : i32
      "tpu.region"() ({
        %run_scoped3A_48 = tpu.sem_alloc : memref<!tpu.dma_semaphore, #tpu.memory_space<semaphore_mem>>
        %dma_start3A_49 = tpu.memref_slice %arg3[%add3A_25] : memref<16384xi32, #tpu.memory_space<hbm>> -> memref<128xi32, #tpu.memory_space<hbm>>
        %dma_start3A_50 = tpu.memref_slice %arg3[%add3A_25] : memref<16384xi32, #tpu.memory_space<hbm>> -> memref<128xi32, #tpu.memory_space<hbm>>
        tpu.enqueue_dma source(%dma_start3A_50 : memref<128xi32, #tpu.memory_space<hbm>>) target(%arg6 : memref<128xi32, #tpu.memory_space<vmem>>) target_semaphore(%run_scoped3A_48 : memref<!tpu.dma_semaphore, #tpu.memory_space<semaphore_mem>>)
        %dma_wait3A_51 = tpu.memref_slice %arg3[%add3A_25] : memref<16384xi32, #tpu.memory_space<hbm>> -> memref<128xi32, #tpu.memory_space<hbm>>
        %dma_wait3A_52 = tpu.memref_slice %arg3[%add3A_25] : memref<16384xi32, #tpu.memory_space<hbm>> -> memref<128xi32, #tpu.memory_space<hbm>>
        tpu.wait_dma2 semaphore(%run_scoped3A_48 : memref<!tpu.dma_semaphore, #tpu.memory_space<semaphore_mem>>) src(%dma_wait3A_52 : memref<128xi32, #tpu.memory_space<hbm>>) dst(%arg6 : memref<128xi32, #tpu.memory_space<vmem>>)
        tpu.yield
      }) : () -> ()
      %parallel_loop3A = arith.constant 0 : i32
      %parallel_loop3A_26 = arith.constant 8 : i32
      %parallel_loop3A_27 = arith.constant 1 : i32
      scf.for %parallel_loop3A_48 = %parallel_loop3A to %parallel_loop3A_26 step %parallel_loop3A_27  : i32 {
        %parallel_loop3A_49 = arith.constant 16 : i32
        %parallel_loop3A_50 = arith.muli %parallel_loop3A_48, %parallel_loop3A_49 : i32
        %parallel_loop3A_51 = arith.index_cast %parallel_loop3A_50 : i32 to index
        %parallel_loop3A_52 = tpu.vector_load %arg6[%parallel_loop3A_51] {strides = array<i32>} : memref<128xi32, #tpu.memory_space<vmem>>, vector<16xi32>,
        %parallel_loop3A_53 = vector.shape_cast %parallel_loop3A_52 : vector<16xi32> to vector<16xi32>
        %parallel_loop3A_54 = arith.constant 2 : i32
        %parallel_loop3A_55 = vector.broadcast %parallel_loop3A_54 : i32 to vector<16xi32>
        %parallel_loop3A_56 = arith.muli %parallel_loop3A_53, %parallel_loop3A_55 : vector<16xi32>
        %parallel_loop3A_57 = arith.constant 0 : i32
        %parallel_loop3A_58 = vector.broadcast %parallel_loop3A_57 : i32 to vector<16xi32>
        %parallel_loop3A_59 = arith.addi %parallel_loop3A_56, %parallel_loop3A_58 : vector<16xi32>
        %parallel_loop3A_60 = arith.constant 16 : i32
        %parallel_loop3A_61 = arith.muli %parallel_loop3A_48, %parallel_loop3A_60 : i32
        %parallel_loop3A_62 = arith.index_cast %parallel_loop3A_61 : i32 to index
        %parallel_loop3A_63 = tpu.vector_load %arg7[%parallel_loop3A_62] {strides = array<i32>} : memref<128xi32, #tpu.memory_space<vmem>>, vector<16xi32>,
        %parallel_loop3A_64 = vector.shape_cast %parallel_loop3A_63 : vector<16xi32> to vector<16xi32>
        %parallel_loop3A_65 = vector.shape_cast %parallel_loop3A_59 : vector<16xi32> to vector<16xi32>
        tpu.vector_store %arg7[%parallel_loop3A_62], %parallel_loop3A_65 {strides = array<i32>} : memref<128xi32, #tpu.memory_space<vmem>>, vector<16xi32>,
      } {sc.loop_unroll_factor = 4 : i64, sc.parallel_access}
      %dma_start3A = arith.constant 0 : i32
      %dma_start3A_28 = arith.constant 0 : i32
      %dma_start3A_29 = tpu.memref_slice %arg2[%dma_start3A, %dma_start3A_28] : memref<2000000x16xf32, #tpu.memory_space<hbm>> -> memref<2000000x16xf32, #tpu.memory_space<hbm>>
      tpu.enqueue_indirect_dma source(%dma_start3A_29 : memref<2000000x16xf32, #tpu.memory_space<hbm>>) target(%arg8 : memref<128x16xf32, #tpu.memory_space<vmem>>) offsets(%arg7 : memref<128xi32, #tpu.memory_space<vmem>>) semaphore(%arg11 : memref<!tpu.dma_semaphore, #tpu.memory_space<semaphore_mem>>)
      %dma_wait3A = arith.constant 0 : i32
      %dma_wait3A_30 = arith.constant 0 : i32
      %dma_wait3A_31 = tpu.memref_slice %arg2[%dma_wait3A, %dma_wait3A_30] : memref<2000000x16xf32, #tpu.memory_space<hbm>> -> memref<2000000x16xf32, #tpu.memory_space<hbm>>
      tpu.wait_indirect_dma semaphore(%arg11 : memref<!tpu.dma_semaphore, #tpu.memory_space<semaphore_mem>>) src(%dma_wait3A_31 : memref<2000000x16xf32, #tpu.memory_space<hbm>>) dst(%arg8 : memref<128x16xf32, #tpu.memory_space<vmem>>)
      %mul3A_32 = arith.constant 128 : i32
      %mul3A_33 = arith.muli %add3A_22, %mul3A_32 : i32
      %add3A_34 = arith.addi %mul3A_2, %mul3A_33 : i32
      %run_scoped3A = arith.constant 0 : i32
      "tpu.region"() ({
        %run_scoped3A_48 = tpu.sem_alloc : memref<!tpu.dma_semaphore, #tpu.memory_space<semaphore_mem>>
        %dma_start3A_49 = arith.constant 0 : i32
        %dma_start3A_50 = tpu.memref_slice %arg4[%run_scoped3A, %add3A_34, %dma_start3A_49] : memref<2x16384x16xf32, #tpu.memory_space<hbm>> -> memref<1x128x16xf32, #tpu.memory_space<hbm>>
        %dma_start3A_51 = tpu.memref_squeeze %dma_start3A_50 : memref<1x128x16xf32, #tpu.memory_space<hbm>> -> memref<128x16xf32, #tpu.memory_space<hbm>>
        %dma_start3A_52 = arith.constant 0 : i32
        %dma_start3A_53 = tpu.memref_slice %arg4[%run_scoped3A, %add3A_34, %dma_start3A_52] : memref<2x16384x16xf32, #tpu.memory_space<hbm>> -> memref<1x128x16xf32, #tpu.memory_space<hbm>>
        %dma_start3A_54 = tpu.memref_squeeze %dma_start3A_53 : memref<1x128x16xf32, #tpu.memory_space<hbm>> -> memref<128x16xf32, #tpu.memory_space<hbm>>
        tpu.enqueue_dma source(%arg8 : memref<128x16xf32, #tpu.memory_space<vmem>>) target(%dma_start3A_54 : memref<128x16xf32, #tpu.memory_space<hbm>>) target_semaphore(%run_scoped3A_48 : memref<!tpu.dma_semaphore, #tpu.memory_space<semaphore_mem>>)
        %dma_wait3A_55 = arith.constant 0 : i32
        %dma_wait3A_56 = tpu.memref_slice %arg4[%run_scoped3A, %add3A_34, %dma_wait3A_55] : memref<2x16384x16xf32, #tpu.memory_space<hbm>> -> memref<1x128x16xf32, #tpu.memory_space<hbm>>
        %dma_wait3A_57 = tpu.memref_squeeze %dma_wait3A_56 : memref<1x128x16xf32, #tpu.memory_space<hbm>> -> memref<128x16xf32, #tpu.memory_space<hbm>>
        %dma_wait3A_58 = arith.constant 0 : i32
        %dma_wait3A_59 = tpu.memref_slice %arg4[%run_scoped3A, %add3A_34, %dma_wait3A_58] : memref<2x16384x16xf32, #tpu.memory_space<hbm>> -> memref<1x128x16xf32, #tpu.memory_space<hbm>>
        %dma_wait3A_60 = tpu.memref_squeeze %dma_wait3A_59 : memref<1x128x16xf32, #tpu.memory_space<hbm>> -> memref<128x16xf32, #tpu.memory_space<hbm>>
        tpu.wait_dma2 semaphore(%run_scoped3A_48 : memref<!tpu.dma_semaphore, #tpu.memory_space<semaphore_mem>>) src(%arg8 : memref<128x16xf32, #tpu.memory_space<vmem>>) dst(%dma_wait3A_60 : memref<128x16xf32, #tpu.memory_space<hbm>>)
        tpu.yield
      }) : () -> ()
      %parallel_loop3A_35 = arith.constant 0 : i32
      %parallel_loop3A_36 = arith.constant 8 : i32
      %parallel_loop3A_37 = arith.constant 1 : i32
      scf.for %parallel_loop3A_48 = %parallel_loop3A_35 to %parallel_loop3A_36 step %parallel_loop3A_37  : i32 {
        %parallel_loop3A_49 = arith.constant 16 : i32
        %parallel_loop3A_50 = arith.muli %parallel_loop3A_48, %parallel_loop3A_49 : i32
        %parallel_loop3A_51 = arith.index_cast %parallel_loop3A_50 : i32 to index
        %parallel_loop3A_52 = tpu.vector_load %arg6[%parallel_loop3A_51] {strides = array<i32>} : memref<128xi32, #tpu.memory_space<vmem>>, vector<16xi32>,
        %parallel_loop3A_53 = vector.shape_cast %parallel_loop3A_52 : vector<16xi32> to vector<16xi32>
        %parallel_loop3A_54 = arith.constant 2 : i32
        %parallel_loop3A_55 = vector.broadcast %parallel_loop3A_54 : i32 to vector<16xi32>
        %parallel_loop3A_56 = arith.muli %parallel_loop3A_53, %parallel_loop3A_55 : vector<16xi32>
        %parallel_loop3A_57 = arith.constant 1 : i32
        %parallel_loop3A_58 = vector.broadcast %parallel_loop3A_57 : i32 to vector<16xi32>
        %parallel_loop3A_59 = arith.addi %parallel_loop3A_56, %parallel_loop3A_58 : vector<16xi32>
        %parallel_loop3A_60 = arith.constant 16 : i32
        %parallel_loop3A_61 = arith.muli %parallel_loop3A_48, %parallel_loop3A_60 : i32
        %parallel_loop3A_62 = arith.index_cast %parallel_loop3A_61 : i32 to index
        %parallel_loop3A_63 = tpu.vector_load %arg7[%parallel_loop3A_62] {strides = array<i32>} : memref<128xi32, #tpu.memory_space<vmem>>, vector<16xi32>,
        %parallel_loop3A_64 = vector.shape_cast %parallel_loop3A_63 : vector<16xi32> to vector<16xi32>
        %parallel_loop3A_65 = vector.shape_cast %parallel_loop3A_59 : vector<16xi32> to vector<16xi32>
        tpu.vector_store %arg7[%parallel_loop3A_62], %parallel_loop3A_65 {strides = array<i32>} : memref<128xi32, #tpu.memory_space<vmem>>, vector<16xi32>,
      } {sc.loop_unroll_factor = 4 : i64, sc.parallel_access}
      %dma_start3A_38 = arith.constant 0 : i32
      %dma_start3A_39 = arith.constant 0 : i32
      %dma_start3A_40 = tpu.memref_slice %arg2[%dma_start3A_38, %dma_start3A_39] : memref<2000000x16xf32, #tpu.memory_space<hbm>> -> memref<2000000x16xf32, #tpu.memory_space<hbm>>
      tpu.enqueue_indirect_dma source(%dma_start3A_40 : memref<2000000x16xf32, #tpu.memory_space<hbm>>) target(%arg8 : memref<128x16xf32, #tpu.memory_space<vmem>>) offsets(%arg7 : memref<128xi32, #tpu.memory_space<vmem>>) semaphore(%arg11 : memref<!tpu.dma_semaphore, #tpu.memory_space<semaphore_mem>>)
      %dma_wait3A_41 = arith.constant 0 : i32
      %dma_wait3A_42 = arith.constant 0 : i32
      %dma_wait3A_43 = tpu.memref_slice %arg2[%dma_wait3A_41, %dma_wait3A_42] : memref<2000000x16xf32, #tpu.memory_space<hbm>> -> memref<2000000x16xf32, #tpu.memory_space<hbm>>
      tpu.wait_indirect_dma semaphore(%arg11 : memref<!tpu.dma_semaphore, #tpu.memory_space<semaphore_mem>>) src(%dma_wait3A_43 : memref<2000000x16xf32, #tpu.memory_space<hbm>>) dst(%arg8 : memref<128x16xf32, #tpu.memory_space<vmem>>)
      %mul3A_44 = arith.constant 128 : i32
      %mul3A_45 = arith.muli %add3A_22, %mul3A_44 : i32
      %add3A_46 = arith.addi %mul3A_2, %mul3A_45 : i32
      %run_scoped3A_47 = arith.constant 1 : i32
      "tpu.region"() ({
        %run_scoped3A_48 = tpu.sem_alloc : memref<!tpu.dma_semaphore, #tpu.memory_space<semaphore_mem>>
        %dma_start3A_49 = arith.constant 0 : i32
        %dma_start3A_50 = tpu.memref_slice %arg4[%run_scoped3A_47, %add3A_46, %dma_start3A_49] : memref<2x16384x16xf32, #tpu.memory_space<hbm>> -> memref<1x128x16xf32, #tpu.memory_space<hbm>>
        %dma_start3A_51 = tpu.memref_squeeze %dma_start3A_50 : memref<1x128x16xf32, #tpu.memory_space<hbm>> -> memref<128x16xf32, #tpu.memory_space<hbm>>
        %dma_start3A_52 = arith.constant 0 : i32
        %dma_start3A_53 = tpu.memref_slice %arg4[%run_scoped3A_47, %add3A_46, %dma_start3A_52] : memref<2x16384x16xf32, #tpu.memory_space<hbm>> -> memref<1x128x16xf32, #tpu.memory_space<hbm>>
        %dma_start3A_54 = tpu.memref_squeeze %dma_start3A_53 : memref<1x128x16xf32, #tpu.memory_space<hbm>> -> memref<128x16xf32, #tpu.memory_space<hbm>>
        tpu.enqueue_dma source(%arg8 : memref<128x16xf32, #tpu.memory_space<vmem>>) target(%dma_start3A_54 : memref<128x16xf32, #tpu.memory_space<hbm>>) target_semaphore(%run_scoped3A_48 : memref<!tpu.dma_semaphore, #tpu.memory_space<semaphore_mem>>)
        %dma_wait3A_55 = arith.constant 0 : i32
        %dma_wait3A_56 = tpu.memref_slice %arg4[%run_scoped3A_47, %add3A_46, %dma_wait3A_55] : memref<2x16384x16xf32, #tpu.memory_space<hbm>> -> memref<1x128x16xf32, #tpu.memory_space<hbm>>
        %dma_wait3A_57 = tpu.memref_squeeze %dma_wait3A_56 : memref<1x128x16xf32, #tpu.memory_space<hbm>> -> memref<128x16xf32, #tpu.memory_space<hbm>>
        %dma_wait3A_58 = arith.constant 0 : i32
        %dma_wait3A_59 = tpu.memref_slice %arg4[%run_scoped3A_47, %add3A_46, %dma_wait3A_58] : memref<2x16384x16xf32, #tpu.memory_space<hbm>> -> memref<1x128x16xf32, #tpu.memory_space<hbm>>
        %dma_wait3A_60 = tpu.memref_squeeze %dma_wait3A_59 : memref<1x128x16xf32, #tpu.memory_space<hbm>> -> memref<128x16xf32, #tpu.memory_space<hbm>>
        tpu.wait_dma2 semaphore(%run_scoped3A_48 : memref<!tpu.dma_semaphore, #tpu.memory_space<semaphore_mem>>) src(%arg8 : memref<128x16xf32, #tpu.memory_space<vmem>>) dst(%dma_wait3A_60 : memref<128x16xf32, #tpu.memory_space<hbm>>)
        tpu.yield
      }) : () -> ()
    }
    %scan3A_6 = arith.constant 4 : i32
    %add3A_7 = arith.constant 0 : i32
    %add3A_8 = arith.addi %add3A, %add3A_7 : i32
    %mul3A_9 = arith.constant 2000 : i32
    %mul3A_10 = arith.muli %add3A_8, %mul3A_9 : i32
    %lt3A = arith.constant 2000000 : i32
    %lt3A_11 = arith.cmpi slt, %mul3A_10, %lt3A : i32
    %convert_element_type3A = arith.extui %lt3A_11 : i1 to i32
    %cond3A = arith.constant 0 : i32
    %cond3A_12 = arith.cmpi ne, %convert_element_type3A, %cond3A : i32
    scf.if %cond3A_12 {
      %add3A_18 = arith.constant 0 : i32
      %add3A_19 = arith.addi %add3A, %add3A_18 : i32
      %mul3A_20 = arith.constant 2000 : i32
      %mul3A_21 = arith.muli %add3A_19, %mul3A_20 : i32
      %dma_start3A = arith.constant 0 : i32
      %dma_start3A_22 = tpu.memref_slice %arg2[%mul3A_21, %dma_start3A] : memref<2000000x16xf32, #tpu.memory_space<hbm>> -> memref<2000x16xf32, #tpu.memory_space<hbm>>
      %dma_start3A_23 = arith.constant 0 : i32
      %dma_start3A_24 = tpu.memref_slice %arg2[%mul3A_21, %dma_start3A_23] : memref<2000000x16xf32, #tpu.memory_space<hbm>> -> memref<2000x16xf32, #tpu.memory_space<hbm>>
      tpu.enqueue_dma source(%dma_start3A_24 : memref<2000x16xf32, #tpu.memory_space<hbm>>) target(%arg9 : memref<2000x16xf32, #tpu.memory_space<vmem>>) target_semaphore(%arg12 : memref<!tpu.dma_semaphore, #tpu.memory_space<semaphore_mem>>)
    } else {
    }
    %scan3A_13 = arith.constant 0 : i32
    %scan3A_14 = arith.constant 16 : i32
    %scan3A_15 = arith.addi %scan3A_13, %scan3A_14 : i32
    %scan3A_16 = arith.constant 1 : i32
    scf.for %scan3A_18 = %scan3A_13 to %scan3A_15 step %scan3A_16  : i32 {
      %mul3A_19 = arith.constant 2 : i32
      %mul3A_20 = arith.muli %scan3A_18, %mul3A_19 : i32
      %add3A_21 = arith.constant 0 : i32
      %add3A_22 = arith.addi %add3A_21, %mul3A_20 : i32
      %add3A_23 = arith.constant 1 : i32
      %add3A_24 = arith.addi %add3A_22, %add3A_23 : i32
      %mul3A_25 = arith.constant 32 : i32
      %mul3A_26 = arith.muli %add3A_24, %mul3A_25 : i32
      %add3A_27 = arith.addi %add3A, %mul3A_26 : i32
      %mul3A_28 = arith.constant 2000 : i32
      %mul3A_29 = arith.muli %add3A_27, %mul3A_28 : i32
      %lt3A_30 = arith.constant 2000000 : i32
      %lt3A_31 = arith.cmpi slt, %mul3A_29, %lt3A_30 : i32
      %convert_element_type3A_32 = arith.extui %lt3A_31 : i1 to i32
      %cond3A_33 = arith.constant 0 : i32
      %cond3A_34 = arith.cmpi ne, %convert_element_type3A_32, %cond3A_33 : i32
      scf.if %cond3A_34 {
        %mul3A_64 = arith.constant 32 : i32
        %mul3A_65 = arith.muli %add3A_24, %mul3A_64 : i32
        %add3A_66 = arith.addi %add3A, %mul3A_65 : i32
        %mul3A_67 = arith.constant 2000 : i32
        %mul3A_68 = arith.muli %add3A_66, %mul3A_67 : i32
        %dma_start3A = arith.constant 0 : i32
        %dma_start3A_69 = tpu.memref_slice %arg2[%mul3A_68, %dma_start3A] : memref<2000000x16xf32, #tpu.memory_space<hbm>> -> memref<2000x16xf32, #tpu.memory_space<hbm>>
        %dma_start3A_70 = arith.constant 0 : i32
        %dma_start3A_71 = tpu.memref_slice %arg2[%mul3A_68, %dma_start3A_70] : memref<2000000x16xf32, #tpu.memory_space<hbm>> -> memref<2000x16xf32, #tpu.memory_space<hbm>>
        tpu.enqueue_dma source(%dma_start3A_71 : memref<2000x16xf32, #tpu.memory_space<hbm>>) target(%arg10 : memref<2000x16xf32, #tpu.memory_space<vmem>>) target_semaphore(%arg13 : memref<!tpu.dma_semaphore, #tpu.memory_space<semaphore_mem>>)
      } else {
      }
      %mul3A_35 = arith.constant 32 : i32
      %mul3A_36 = arith.muli %add3A_22, %mul3A_35 : i32
      %add3A_37 = arith.addi %add3A, %mul3A_36 : i32
      %mul3A_38 = arith.constant 2000 : i32
      %mul3A_39 = arith.muli %add3A_37, %mul3A_38 : i32
      %lt3A_40 = arith.constant 2000000 : i32
      %lt3A_41 = arith.cmpi slt, %mul3A_39, %lt3A_40 : i32
      %convert_element_type3A_42 = arith.extui %lt3A_41 : i1 to i32
      %cond3A_43 = arith.constant 0 : i32
      %cond3A_44 = arith.cmpi ne, %convert_element_type3A_42, %cond3A_43 : i32
      scf.if %cond3A_44 {
        %mul3A_64 = arith.constant 32 : i32
        %mul3A_65 = arith.muli %add3A_22, %mul3A_64 : i32
        %add3A_66 = arith.addi %add3A, %mul3A_65 : i32
        %mul3A_67 = arith.constant 2000 : i32
        %mul3A_68 = arith.muli %add3A_66, %mul3A_67 : i32
        %dma_wait3A = arith.constant 0 : i32
        %dma_wait3A_69 = tpu.memref_slice %arg2[%mul3A_68, %dma_wait3A] : memref<2000000x16xf32, #tpu.memory_space<hbm>> -> memref<2000x16xf32, #tpu.memory_space<hbm>>
        %dma_wait3A_70 = arith.constant 0 : i32
        %dma_wait3A_71 = tpu.memref_slice %arg2[%mul3A_68, %dma_wait3A_70] : memref<2000000x16xf32, #tpu.memory_space<hbm>> -> memref<2000x16xf32, #tpu.memory_space<hbm>>
        tpu.wait_dma2 semaphore(%arg12 : memref<!tpu.dma_semaphore, #tpu.memory_space<semaphore_mem>>) src(%dma_wait3A_71 : memref<2000x16xf32, #tpu.memory_space<hbm>>) dst(%arg9 : memref<2000x16xf32, #tpu.memory_space<vmem>>)
        %parallel_loop3A = arith.constant 0 : i32
        %parallel_loop3A_72 = arith.constant 2000 : i32
        %parallel_loop3A_73 = arith.constant 1 : i32
        scf.for %parallel_loop3A_79 = %parallel_loop3A to %parallel_loop3A_72 step %parallel_loop3A_73  : i32 {
          %parallel_loop3A_80 = arith.index_cast %parallel_loop3A_79 : i32 to index
          %parallel_loop3A_81 = arith.constant 0 : index
          %parallel_loop3A_82 = tpu.vector_load %arg9[%parallel_loop3A_80, %parallel_loop3A_81] {strides = array<i32>} : memref<2000x16xf32, #tpu.memory_space<vmem>>, vector<1x16xf32>,
          %parallel_loop3A_83 = vector.shape_cast %parallel_loop3A_82 : vector<1x16xf32> to vector<16xf32>
          %parallel_loop3A_84 = arith.mulf %parallel_loop3A_83, %parallel_loop3A_83 : vector<16xf32>
          %parallel_loop3A_85 = arith.index_cast %parallel_loop3A_79 : i32 to index
          %parallel_loop3A_86 = arith.constant 0 : index
          %parallel_loop3A_87 = tpu.vector_load %arg9[%parallel_loop3A_85, %parallel_loop3A_86] {strides = array<i32>} : memref<2000x16xf32, #tpu.memory_space<vmem>>, vector<1x16xf32>,
          %parallel_loop3A_88 = vector.shape_cast %parallel_loop3A_87 : vector<1x16xf32> to vector<16xf32>
          %parallel_loop3A_89 = vector.shape_cast %parallel_loop3A_84 : vector<16xf32> to vector<1x16xf32>
          tpu.vector_store %arg9[%parallel_loop3A_85, %parallel_loop3A_86], %parallel_loop3A_89 {strides = array<i32>} : memref<2000x16xf32, #tpu.memory_space<vmem>>, vector<1x16xf32>,
        } {sc.loop_unroll_factor = 8 : i64, sc.parallel_access}
        %mul3A_74 = arith.constant 32 : i32
        %mul3A_75 = arith.muli %add3A_22, %mul3A_74 : i32
        %add3A_76 = arith.addi %add3A, %mul3A_75 : i32
        %mul3A_77 = arith.constant 2000 : i32
        %mul3A_78 = arith.muli %add3A_76, %mul3A_77 : i32
        "tpu.region"() ({
          %run_scoped3A = tpu.sem_alloc : memref<!tpu.dma_semaphore, #tpu.memory_space<semaphore_mem>>
          %dma_start3A = arith.constant 0 : i32
          %dma_start3A_79 = tpu.memref_slice %arg5[%mul3A_78, %dma_start3A] : memref<2000000x16xf32, #tpu.memory_space<hbm>> -> memref<2000x16xf32, #tpu.memory_space<hbm>>
          %dma_start3A_80 = arith.constant 0 : i32
          %dma_start3A_81 = tpu.memref_slice %arg5[%mul3A_78, %dma_start3A_80] : memref<2000000x16xf32, #tpu.memory_space<hbm>> -> memref<2000x16xf32, #tpu.memory_space<hbm>>
          tpu.enqueue_dma source(%arg9 : memref<2000x16xf32, #tpu.memory_space<vmem>>) target(%dma_start3A_81 : memref<2000x16xf32, #tpu.memory_space<hbm>>) target_semaphore(%run_scoped3A : memref<!tpu.dma_semaphore, #tpu.memory_space<semaphore_mem>>)
          %dma_wait3A_82 = arith.constant 0 : i32
          %dma_wait3A_83 = tpu.memref_slice %arg5[%mul3A_78, %dma_wait3A_82] : memref<2000000x16xf32, #tpu.memory_space<hbm>> -> memref<2000x16xf32, #tpu.memory_space<hbm>>
          %dma_wait3A_84 = arith.constant 0 : i32
          %dma_wait3A_85 = tpu.memref_slice %arg5[%mul3A_78, %dma_wait3A_84] : memref<2000000x16xf32, #tpu.memory_space<hbm>> -> memref<2000x16xf32, #tpu.memory_space<hbm>>
          tpu.wait_dma2 semaphore(%run_scoped3A : memref<!tpu.dma_semaphore, #tpu.memory_space<semaphore_mem>>) src(%arg9 : memref<2000x16xf32, #tpu.memory_space<vmem>>) dst(%dma_wait3A_85 : memref<2000x16xf32, #tpu.memory_space<hbm>>)
          tpu.yield
        }) : () -> ()
      } else {
      }
      %add3A_45 = arith.constant 2 : i32
      %add3A_46 = arith.addi %add3A_22, %add3A_45 : i32
      %lt3A_47 = arith.constant 32 : i32
      %lt3A_48 = arith.cmpi slt, %add3A_46, %lt3A_47 : i32
      %convert_element_type3A_49 = arith.extui %lt3A_48 : i1 to i32
      %cond3A_50 = arith.constant 0 : i32
      %cond3A_51 = arith.cmpi ne, %convert_element_type3A_49, %cond3A_50 : i32
      scf.if %cond3A_51 {
        %add3A_64 = arith.constant 2 : i32
        %add3A_65 = arith.addi %add3A_22, %add3A_64 : i32
        %mul3A_66 = arith.constant 32 : i32
        %mul3A_67 = arith.muli %add3A_65, %mul3A_66 : i32
        %add3A_68 = arith.addi %add3A, %mul3A_67 : i32
        %mul3A_69 = arith.constant 2000 : i32
        %mul3A_70 = arith.muli %add3A_68, %mul3A_69 : i32
        %lt3A_71 = arith.constant 2000000 : i32
        %lt3A_72 = arith.cmpi slt, %mul3A_70, %lt3A_71 : i32
        %convert_element_type3A_73 = arith.extui %lt3A_72 : i1 to i32
        %cond3A_74 = arith.constant 0 : i32
        %cond3A_75 = arith.cmpi ne, %convert_element_type3A_73, %cond3A_74 : i32
        scf.if %cond3A_75 {
          %mul3A_76 = arith.constant 32 : i32
          %mul3A_77 = arith.muli %add3A_65, %mul3A_76 : i32
          %add3A_78 = arith.addi %add3A, %mul3A_77 : i32
          %mul3A_79 = arith.constant 2000 : i32
          %mul3A_80 = arith.muli %add3A_78, %mul3A_79 : i32
          %dma_start3A = arith.constant 0 : i32
          %dma_start3A_81 = tpu.memref_slice %arg2[%mul3A_80, %dma_start3A] : memref<2000000x16xf32, #tpu.memory_space<hbm>> -> memref<2000x16xf32, #tpu.memory_space<hbm>>
          %dma_start3A_82 = arith.constant 0 : i32
          %dma_start3A_83 = tpu.memref_slice %arg2[%mul3A_80, %dma_start3A_82] : memref<2000000x16xf32, #tpu.memory_space<hbm>> -> memref<2000x16xf32, #tpu.memory_space<hbm>>
          tpu.enqueue_dma source(%dma_start3A_83 : memref<2000x16xf32, #tpu.memory_space<hbm>>) target(%arg9 : memref<2000x16xf32, #tpu.memory_space<vmem>>) target_semaphore(%arg12 : memref<!tpu.dma_semaphore, #tpu.memory_space<semaphore_mem>>)
        } else {
        }
      } else {
      }
      %add3A_52 = arith.constant 1 : i32
      %add3A_53 = arith.addi %add3A_22, %add3A_52 : i32
      %mul3A_54 = arith.constant 32 : i32
      %mul3A_55 = arith.muli %add3A_53, %mul3A_54 : i32
      %add3A_56 = arith.addi %add3A, %mul3A_55 : i32
      %mul3A_57 = arith.constant 2000 : i32
      %mul3A_58 = arith.muli %add3A_56, %mul3A_57 : i32
      %lt3A_59 = arith.constant 2000000 : i32
      %lt3A_60 = arith.cmpi slt, %mul3A_58, %lt3A_59 : i32
      %convert_element_type3A_61 = arith.extui %lt3A_60 : i1 to i32
      %cond3A_62 = arith.constant 0 : i32
      %cond3A_63 = arith.cmpi ne, %convert_element_type3A_61, %cond3A_62 : i32
      scf.if %cond3A_63 {
        %mul3A_64 = arith.constant 32 : i32
        %mul3A_65 = arith.muli %add3A_53, %mul3A_64 : i32
        %add3A_66 = arith.addi %add3A, %mul3A_65 : i32
        %mul3A_67 = arith.constant 2000 : i32
        %mul3A_68 = arith.muli %add3A_66, %mul3A_67 : i32
        %dma_wait3A = arith.constant 0 : i32
        %dma_wait3A_69 = tpu.memref_slice %arg2[%mul3A_68, %dma_wait3A] : memref<2000000x16xf32, #tpu.memory_space<hbm>> -> memref<2000x16xf32, #tpu.memory_space<hbm>>
        %dma_wait3A_70 = arith.constant 0 : i32
        %dma_wait3A_71 = tpu.memref_slice %arg2[%mul3A_68, %dma_wait3A_70] : memref<2000000x16xf32, #tpu.memory_space<hbm>> -> memref<2000x16xf32, #tpu.memory_space<hbm>>
        tpu.wait_dma2 semaphore(%arg13 : memref<!tpu.dma_semaphore, #tpu.memory_space<semaphore_mem>>) src(%dma_wait3A_71 : memref<2000x16xf32, #tpu.memory_space<hbm>>) dst(%arg10 : memref<2000x16xf32, #tpu.memory_space<vmem>>)
        %parallel_loop3A = arith.constant 0 : i32
        %parallel_loop3A_72 = arith.constant 2000 : i32
        %parallel_loop3A_73 = arith.constant 1 : i32
        scf.for %parallel_loop3A_79 = %parallel_loop3A to %parallel_loop3A_72 step %parallel_loop3A_73  : i32 {
          %parallel_loop3A_80 = arith.index_cast %parallel_loop3A_79 : i32 to index
          %parallel_loop3A_81 = arith.constant 0 : index
          %parallel_loop3A_82 = tpu.vector_load %arg10[%parallel_loop3A_80, %parallel_loop3A_81] {strides = array<i32>} : memref<2000x16xf32, #tpu.memory_space<vmem>>, vector<1x16xf32>,
          %parallel_loop3A_83 = vector.shape_cast %parallel_loop3A_82 : vector<1x16xf32> to vector<16xf32>
          %parallel_loop3A_84 = arith.mulf %parallel_loop3A_83, %parallel_loop3A_83 : vector<16xf32>
          %parallel_loop3A_85 = arith.index_cast %parallel_loop3A_79 : i32 to index
          %parallel_loop3A_86 = arith.constant 0 : index
          %parallel_loop3A_87 = tpu.vector_load %arg10[%parallel_loop3A_85, %parallel_loop3A_86] {strides = array<i32>} : memref<2000x16xf32, #tpu.memory_space<vmem>>, vector<1x16xf32>,
          %parallel_loop3A_88 = vector.shape_cast %parallel_loop3A_87 : vector<1x16xf32> to vector<16xf32>
          %parallel_loop3A_89 = vector.shape_cast %parallel_loop3A_84 : vector<16xf32> to vector<1x16xf32>
          tpu.vector_store %arg10[%parallel_loop3A_85, %parallel_loop3A_86], %parallel_loop3A_89 {strides = array<i32>} : memref<2000x16xf32, #tpu.memory_space<vmem>>, vector<1x16xf32>,
        } {sc.loop_unroll_factor = 8 : i64, sc.parallel_access}
        %mul3A_74 = arith.constant 32 : i32
        %mul3A_75 = arith.muli %add3A_53, %mul3A_74 : i32
        %add3A_76 = arith.addi %add3A, %mul3A_75 : i32
        %mul3A_77 = arith.constant 2000 : i32
        %mul3A_78 = arith.muli %add3A_76, %mul3A_77 : i32
        "tpu.region"() ({
          %run_scoped3A = tpu.sem_alloc : memref<!tpu.dma_semaphore, #tpu.memory_space<semaphore_mem>>
          %dma_start3A = arith.constant 0 : i32
          %dma_start3A_79 = tpu.memref_slice %arg5[%mul3A_78, %dma_start3A] : memref<2000000x16xf32, #tpu.memory_space<hbm>> -> memref<2000x16xf32, #tpu.memory_space<hbm>>
          %dma_start3A_80 = arith.constant 0 : i32
          %dma_start3A_81 = tpu.memref_slice %arg5[%mul3A_78, %dma_start3A_80] : memref<2000000x16xf32, #tpu.memory_space<hbm>> -> memref<2000x16xf32, #tpu.memory_space<hbm>>
          tpu.enqueue_dma source(%arg10 : memref<2000x16xf32, #tpu.memory_space<vmem>>) target(%dma_start3A_81 : memref<2000x16xf32, #tpu.memory_space<hbm>>) target_semaphore(%run_scoped3A : memref<!tpu.dma_semaphore, #tpu.memory_space<semaphore_mem>>)
          %dma_wait3A_82 = arith.constant 0 : i32
          %dma_wait3A_83 = tpu.memref_slice %arg5[%mul3A_78, %dma_wait3A_82] : memref<2000000x16xf32, #tpu.memory_space<hbm>> -> memref<2000x16xf32, #tpu.memory_space<hbm>>
          %dma_wait3A_84 = arith.constant 0 : i32
          %dma_wait3A_85 = tpu.memref_slice %arg5[%mul3A_78, %dma_wait3A_84] : memref<2000000x16xf32, #tpu.memory_space<hbm>> -> memref<2000x16xf32, #tpu.memory_space<hbm>>
          tpu.wait_dma2 semaphore(%run_scoped3A : memref<!tpu.dma_semaphore, #tpu.memory_space<semaphore_mem>>) src(%arg10 : memref<2000x16xf32, #tpu.memory_space<vmem>>) dst(%dma_wait3A_85 : memref<2000x16xf32, #tpu.memory_space<hbm>>)
          tpu.yield
        }) : () -> ()
      } else {
      }
    }
    %scan3A_17 = arith.constant 16 : i32
    return
  }
}

</mosaic_0001>

<sc_bundles>
// kernel: kernel.3.cloned.1.call-start
scs
__scs_entry_jumppad:
0x0: {  	(pc) =	sbr.rel $0x88, $3  }
0x1: {  	(tag) =	ssettag $0x0;
	lr =	simm.s32 $0x1  }
0x2: {  	[smem:$0x3F9F] =	sst lr;
	_ =	strace $0xD0000000  }
0x3: {  	_ = 	snop  }
0x4: {  	_ = 	snop  }
0x5: {  	_ = 	snop  }
0x6: {  	_ = 	snop  }
0x7: {  	_ = 	snop  }
__scs_overlays_trampoline_lowered:
0x8: {  	[smem:$0x3FAE] =	sst s0  }
0x9: {  	[smem:$0x3FAF] =	sst s1  }
0xa: {  	[smem:$0x3FB0] =	sst s2  }
0xb: {  	[smem:$0x3FB1] =	sst s3  }
0xc: {  	[smem:$0x3FB2] =	sst s4  }
0xd: {  	[smem:$0x3FB3] =	sst s5  }
0xe: {  	[smem:$0x3FB4] =	sst s6  }
0xf: {  	[smem:$0x3FB5] =	sst s7  }
0x10: {  	[smem:$0x3FB6] =	sst s8  }
0x11: {  	[smem:$0x3FB7] =	sst s9;
	s0 =	simm.s32 @!p0 $0x0  }
0x12: {  	s1 =	sld [smem:$0x3F9D];
	s0 =	simm.s32 @p0 $0x1  }
0x13: {  	[smem:$0x3FB8] =	sst s0;
	s0 =	simm.s32 @!p1 $0x0  }
0x14: {  	s2 =	sld [smem:$0x3F9C];
	s0 =	simm.s32 @p1 $0x1  }
0x15: {  	[smem:$0x3FB9] =	sst s0;
	s0 =	simm.s32 @!p2 $0x0  }
0x16: {  	s3 =	sld [smem:$0x3FDB];
	s0 =	simm.s32 @p2 $0x1  }
0x17: {  	s4 =	simm.s32 $0x1BF5;
	[smem:$0x3FBB] =	sst s0  }
0x18: {  	s0 =	sld [smem:$0x3F9E];
	_ =	swait.ge [sflag:s4], $0x0  }
0x19: {  	s7 =	sld [smem:$0x3F9F]  }
0x1a: {  	s8 =	sadd.s32 $0xFFFFE003, lr  }
0x1b: {  	s9 =	sadd.s32 $0xFFFFFEF7, lr;
	s5 =	simm.s32 $0xFFFFFFFF;
	p2 =	slt.u32 s8, $0xFFFFF086  }
0x1c: {  	p1 =	slt.u32 s9, $0xF7A;
	s5 =	simm.s32 @!p2 $0x0  }
0x1d: {  	s5 =	simm.s32 @p1 $0x1;
	p0 =	seq.s32 s7, s2  }
0x1e: {  	s7 =	smul.u32 @!p0 $0xF7A, s2;
	p2 =	seq.s32 @!p0 s5, $0x0  }
0x1f: {  	s9 =	smul.u32 $0xF7A, s1;
	s8 =	simm.s32 @!p0 $0x1BF5;
	p2 =	por !p2, p0  }
0x20: {  	[sflag:s8] =	ssyncset.s32 @!p0 $0xFFFFF086;
	s6 =	sadd.s32 @!p0 s3, s7;
	s7 =	simm.s32 @!p0 $0x108  }
0x21: {  	s3 =	sadd.s32 s3, s9;
	s6 =	sadd.s32 @!p0 $0x88, s6;
	s7 =	simm.s32 @p2 $0x1082  }
0x22: {  	[simem:s7], [sflag:s8] =	dma.local @!p0 [hbm:s6], $0xF7A  }
0x23: {  	s9 =	sor.u32 $0xD0000000, s2;
	s6 =	simm.s32 $0x108;
	_ =	swait.ge @!p0 [sflag:s8], $0x0  }
0x24: {  	s3 =	sadd.s32 $0x88, s3;
	s6 =	simm.s32 @!p1 $0x1082;
	[sflag:s4] =	ssyncset.s32 $0xFFFFF086  }
0x25: {  	[simem:s6], [sflag:s4] =	dma.local [hbm:s3], $0xF7A  }
0x26: {  	[smem:$0x3F9F] =	sst s1;
	(tag) =	ssettag s2;
	_ =	strace s9  }
0x27: {  	s1 =	sld [smem:$0x3FAF]  }
0x28: {  	s2 =	sld [smem:$0x3FB0]  }
0x29: {  	s4 =	sld [smem:$0x3FB2]  }
0x2a: {  	p0 =	seq.s32 s5, $0x0;
	s5 =	sld [smem:$0x3FB3]  }
0x2b: {  	s6 =	sld [smem:$0x3FB4]  }
0x2c: {  	s7 =	sld [smem:$0x3FB5]  }
0x2d: {  	s3 =	simm.s32 $0x108;
	s8 =	sld [smem:$0x3FB6]  }
0x2e: {  	s3 =	simm.s32 @!p0 $0x1082;
	s9 =	sld [smem:$0x3FB7]  }
0x2f: {  	lr =	sadd.s32 s0, s3;
	s0 =	sld [smem:$0x3FAE]  }
0x30: {  	s3 =	sld [smem:$0x3FB1]  }
0x31: {  	[smem:$0x3FBA] =	sst s10  }
0x32: {  	s10 =	sld [smem:$0x3FB8];
	_ =	sdelay $0x3  }
0x33: {  	p0 =	seq.s32 s10, $0x1;
	s10 =	sld [smem:$0x3FBA];
	_ =	sdelay $0x3  }
0x34: {  	[smem:$0x3FBA] =	sst s10  }
0x35: {  	s10 =	sld [smem:$0x3FB9];
	_ =	sdelay $0x3  }
0x36: {  	p1 =	seq.s32 s10, $0x1;
	s10 =	sld [smem:$0x3FBA];
	_ =	sdelay $0x3  }
0x37: {  	[smem:$0x3FBA] =	sst s10  }
0x38: {  	s10 =	sld [smem:$0x3FBB]  }
0x39: {  	_ = 	snop;
	(pc) =	sbr.ind lr, $3  }
0x3a: {  	_ = 	snop  }
0x3b: {  	_ = 	snop  }
0x3c: {  	p2 =	seq.s32 s10, $0x1;
	s10 =	sld [smem:$0x3FBA]  }
0x3d: {  	_ =	shalt  }
0x3e: {  	_ =	shalt  }
0x3f: {  	_ =	shalt  }
0x40: {  	_ =	shalt  }
0x41: {  	_ =	shalt  }
0x42: {  	_ =	shalt  }
0x43: {  	_ =	shalt  }
0x44: {  	_ =	shalt  }
0x45: {  	_ =	shalt  }
0x46: {  	_ =	shalt  }
0x47: {  	_ =	shalt  }
0x48: {  	_ =	shalt  }
0x49: {  	_ =	shalt  }
0x4a: {  	_ =	shalt  }
0x4b: {  	_ =	shalt  }
0x4c: {  	_ =	shalt  }
0x4d: {  	_ =	shalt  }
0x4e: {  	_ =	shalt  }
0x4f: {  	_ =	shalt  }
0x50: {  	_ =	shalt  }
0x51: {  	_ =	shalt  }
0x52: {  	_ =	shalt  }
0x53: {  	_ =	shalt  }
0x54: {  	_ =	shalt  }
0x55: {  	_ =	shalt  }
0x56: {  	_ =	shalt  }
0x57: {  	_ =	shalt  }
0x58: {  	_ =	shalt  }
0x59: {  	_ =	shalt  }
0x5a: {  	_ =	shalt  }
0x5b: {  	_ =	shalt  }
0x5c: {  	_ =	shalt  }
0x5d: {  	_ =	shalt  }
0x5e: {  	_ =	shalt  }
0x5f: {  	_ =	shalt  }
0x60: {  	_ =	shalt  }
0x61: {  	_ =	shalt  }
0x62: {  	_ =	shalt  }
0x63: {  	_ =	shalt  }
0x64: {  	_ =	shalt  }
0x65: {  	_ =	shalt  }
0x66: {  	_ =	shalt  }
0x67: {  	_ =	shalt  }
0x68: {  	_ =	shalt  }
0x69: {  	_ =	shalt  }
0x6a: {  	_ =	shalt  }
0x6b: {  	_ =	shalt  }
0x6c: {  	_ =	shalt  }
0x6d: {  	_ =	shalt  }
0x6e: {  	_ =	shalt  }
0x6f: {  	_ =	shalt  }
0x70: {  	_ =	shalt  }
0x71: {  	_ =	shalt  }
0x72: {  	_ =	shalt  }
0x73: {  	_ =	shalt  }
0x74: {  	_ =	shalt  }
0x75: {  	_ =	shalt  }
0x76: {  	_ =	shalt  }
0x77: {  	_ =	shalt  }
0x78: {  	_ =	shalt  }
0x79: {  	_ =	shalt  }
0x7a: {  	_ =	shalt  }
0x7b: {  	_ =	shalt  }
0x7c: {  	_ =	shalt  }
0x7d: {  	_ =	shalt  }
0x7e: {  	_ =	shalt  }
0x7f: {  	_ =	shalt  }
0x80: {  	_ =	shalt  }
0x81: {  	_ =	shalt  }
0x82: {  	_ =	shalt  }
0x83: {  	_ =	shalt  }
0x84: {  	_ =	shalt  }
0x85: {  	_ =	shalt  }
0x86: {  	_ =	shalt  }
0x87: {  	_ =	shalt  }
.Lfunc_end0:
.L_simem_size_0:
called_computation.1_lowered:
.L_overlay_start_0:
0x88: {  	s2 =	sld [smem:$0x3FD9]  }
0x89: {  	s3 =	sld [smem:$0x3FFE];
	_ =	sdelay $0x1  }
0x8a: {  	s1 =	srdreg.scid  }
0x8b: {  	s0 =	sand.u32 $0x1, s1  }
0x8c: {  	s14 =	sshll.u32 s0, $0xA;
	s2 =	sadd.s32 s3, s2  }
0x8d: {  	s2 =	sadd.s32 s2, s14  }
0x8e: {  	[smem:$0x3FC6] =	sst s2  }
0x8f: {  	_ = 	snop  }
0x90: {  	s2 =	sld [smem:$0x3FD0];
	_ =	sdelay $0x2  }
0x91: {  	s4 =	simm.s32 $0xA;
	s5 =	simm.s32 $0x10;
	s15 =	sld [smem:$0x3FC9]  }
0x92: {  	[smem:s5], [sflag:s4] =	dma.local [hbm:s2], $0x1  }
0x93: {  	_ =	swait.eq [sflag:s4], $0x1  }
0x94: {  	[sflag:s4] =	ssyncset.done $0x0  }
0x95: {  	s16 =	sld [smem:$0x10];
	[sflag:s4] =	ssyncadd.s32 $0xFFFFFFFF  }
0x96: {  	s17 =	sld [smem:$0x11];
	(tm) =	ssettm $0x1  }
0x97: {  	s18 =	sld [smem:$0x3FFB];
	_ =	sdelay $0x3  }
0x98: {  	_ =	strace s18  }
0x99: {  	s5 =	sld [smem:$0x3FFC];
	_ =	sdelay $0x3  }
0x9a: {  	_ =	strace s5  }
0x9b: {  	s5 =	sld [smem:$0x3FFD];
	_ =	sdelay $0x3  }
0x9c: {  	_ =	strace s5  }
0x9d: {  	_ =	strace $0x8FFFFFFF  }
0x9e: {  	s19 =	sld [smem:$0x3FDB];
	_ =	sdelay $0x1  }
0x9f: {  	s6 =	simm.s32 $_scs_section_size  }
0xa0: {  	s7 =	simm.s32 $_size__tile_overlayer_lowered;
	s8 =	simm.s32 $_tile_overlayer_lowered  }
0xa1: {  	s22 =	simm.s32 $0x1BFF;
	s21 =	sshll.u32 s8, $0x1;
	s5 =	sadd.s32 s6, s19  }
0xa2: {  	s9 =	simm.s32 $0x0;
	s20 =	sshll.u32 s7, $0x1;
	s7 =	sadd.s32 s21, s5  }
0xa3: {  	[timem:s9], [sflag:s22] =	dma.local [hbm:s7], s20  }
0xa4: {  	_ =	swait.ge [sflag:s22], s20  }
0xa5: {  	s6 =	ssub.s32 $0x0, s20;
	[sflag:s22] =	ssyncset.done $0x0  }
0xa6: {  	[sflag:s22] =	ssyncadd.s32 s6;
	_ =	sdelay $0x1  }
0xa7: {  	s23 =	simm.s32 $0x1B8B  }
0xa8: {  	_ =	swait.ge [sflag:s23], $0x1  }
0xa9: {  	[sflag:s23] =	ssyncset.done $0x0  }
0xaa: {  	s25 =	simm.s32 $0x1B8E;
	s24 =	sld [smem:$0x3FFE];
	[sflag:s23] =	ssyncadd.s32 $0xFFFFFFFF  }
0xab: {  	s26 =	simm.s32 $execute0_lowered;
	[smem:$0x3FD2] =	sst s25  }
0xac: {  	s7 =	sshll.u32 s26, $0x1;
	_ =	strace $0x80000046;
	[dreg:$0x1] =	wrdreg $0xFFFFFFFF  }
0xad: {  	s28 =	simm.s32 $_size_execute0_lowered;
	s5 =	sadd.s32 s5, s7;
	[dreg:$0x0] =	wrdreg $0x0  }
0xae: {  	s7 =	sshll.u32 s28, $0x1;
	[dreg:$0x2] =	wrdreg s5  }
0xaf: {  	[dreg:$0x3] =	wrdreg s7  }
0xb0: {  	[dreg:$0x4] =	wrdreg $0xC0  }
0xb1: {  	_ =	task [dreg:s9], $0x5FFFF  }
0xb2: {  	[dreg:$0x1] =	wrdreg $0xFFFFFFFF  }
0xb3: {  	[dreg:$0x0] =	wrdreg $0x60  }
0xb4: {  	[dreg:$0x2] =	wrdreg s17  }
0xb5: {  	[dreg:$0x3] =	wrdreg s15  }
0xb6: {  	[dreg:$0x4] =	wrdreg s16  }
0xb7: {  	[dreg:$0x5] =	wrdreg s24  }
0xb8: {  	[dreg:$0x6] =	wrdreg $0x9  }
0xb9: {  	_ =	task.clear_ibuf [dreg:s9], $0x7FFFF;
	_ =	strace $0x90000046  }
0xba: {  	s29 =	simm.s32 $0x9;
	_ =	strace $0x80000048  }
0xbb: {  	_ =	swait.ge [sflag:s29], $0x1  }
0xbc: {  	[sflag:s29] =	ssyncadd.s32 $0xFFFFFFFF  }
0xbd: {  	_ =	strace $0x90000048  }
0xbe: {  	_ =	sfence  }
0xbf: {  	s30 =	sld [smem:$0x0];
	_ =	sdelay $0x2  }
0xc0: {  	s31 =	sshll.u32 s1, $0xD;
	s1 =	sshrl.u32 s1, $0x2  }
0xc1: {  	s3 =	sand.u32 $0x4000, s31;
	s1 =	sadd.s32 s1, s30  }
0xc2: {  	s0 =	sor.u32 s3, s0;
	s1 =	sshll.u32 s1, $0x11  }
0xc3: {  	s0 =	sor.u32 s1, s0  }
0xc4: {  	s0 =	sadd.s32 $0x8F2B, s0  }
0xc5: {  	[sflag:s0] =	ssyncadd.remote.s32 $0x1  }
0xc6: {  	_ =	sfence.sel $0xFFFF  }
0xc7: {  	[dreg:$0x0] =	wrdreg $0xFFFFFFFF;
	(pc) =	sbr.abs _section_cstart, $3  }
0xc8: {  	[dreg:$0x1] =	wrdreg $0xFFFFFFFF  }
0xc9: {  	_ =	task.clear_ibuf [dreg:s9], $0x2FFFF;
	_ =	strace $0x9FFFFFFF  }
0xca: {  	(tm) =	ssettm $0x7FFFFFFF  }
0xcb: {  	_ =	shalt  }
tec
execute0_lowered:
.L_overlay_start_1:
0x0: {  	(tag) =	ssettag $0x1  }
0x1: {  	s1 =	rddreg [dreg:$0x0]  }
0x2: {  	s3 =	rddreg [dreg:$0x1]  }
0x3: {  	s4 =	rddreg [dreg:$0x2]  }
0x4: {  	s7 =	rddreg [dreg:$0x3];
	s5 =	srdreg.scid  }
0x5: {  	s2 =	stileid.u32;
	s0 =	rddreg [dreg:$0x4]  }
0x6: {  	s13 =	simm.s32 $0x4;
	s14 =	simm.s32 $0x80;
	s15 =	simm.s32 $0x100  }
0x7: {  	s16 =	simm.s32 $0x1;
	s17 =	simm.s32 $0x900;
	s18 =	simm.s32 $0x2  }
0x8: {  	s19 =	simm.s32 $0x5;
	s20 =	simm.s32 $0x3;
	s21 =	simm.s32 $0x8600  }
0x9: {  	s22 =	simm.s32 $0x0;
	s6 =	sand.u32 $0x1, s5;
	s8 =	sshll.u32 s2, $0x1  }
.Ltmp0:
0xa: {  	s5 =	simm.s32 $0x0;
	s7 =	sadd.s32 $0xE00, s7;
	(pc) =	sbr.rel .LBB2_1-.Ltmp0, $4  }
0xb: {  	s9 =	ssub.s32 $0x2, s6;
	s6 =	sor.u32 s6, s8;
	[smem:$0x7FF] =	sst s5  }
0xc: {  	s31 =	sshrl.u32 s9, $0x1;
	s10 =	smul.u32 $0xFA0, s6;
	_ =	strace $0x80000047  }
0xd: {  	s8 =	sshll.u32 s6, $0x9;
	s11 =	sor.u32 $0x40, s6;
	s12 =	ssub.s32 s9, s31  }
0xe: {  	s9 =	sadd.s32 $0x8000, s4;
	s10 =	sadd.s32 s1, s10;
	s12 =	smax.u32 s12, $0x1  }
.LBB2_15:
0xf: {  	s22 =	sadd.s32 $0x1, s22  }
0x10: {  	p0 =	sne.s32 s22, s12  }
.Ltmp1:
0x11: {  	_ = 	snop;
	(pc) =	sbr.rel @!p0 .LBB2_16-.Ltmp1, $1  }
0x12: {  	_ =	sdelay $0x3  }
.LBB2_1:
0x13: {  	s23 =	simm.s32 $0x0  }
.LBB2_2:
0x14: {  	s24 =	sshll.u32 s23, $0x7  }
0x15: {  	s24 =	sadd.s32 s8, s24  }
0x16: {  	s25 =	sshrl.u32 s24, $0x3  }
0x17: {  	s26 =	sadd.s32 s3, s25;
	s25 =	simm.s32 $0x0  }
0x18: {  	[tilespmem:s25], [sflag:$0x4] =	stream.linear.gather [hbm4b:s26+s25], $0x80, $0x38;
	[tilespmem:$0x10300] =	vst v63  }
0x19: {  	_ =	swait.ge [sflag:s13], $0x80  }
0x1a: {  	[sflag:s13] =	ssyncset.done $0x0  }
0x1b: {  	p0 =	por $0x1, $0x1;
	[sflag:s13] =	ssyncadd.s32 $0xFFFFFF80  }
.LBB2_3:
0x1c: {  	v0 =	vld [tilespmem:s25+$0x0];
	s26 =	sor.u32 $0x10, s25  }
0x1d: {  	s30 =	sor.u32 $0x20, s25;
	v1 =	vld [tilespmem:s26+$0x0]  }
0x1e: {  	s31 =	sor.u32 $0x30, s25;
	v2 =	vld [tilespmem:s30+$0x0]  }
0x1f: {  	v3 =	vld [tilespmem:s31+$0x0]  }
0x20: {  	p1 =	por p0, p0  }
.Ltmp2:
0x21: {  	v0 =	vshll.u32 v0, $0x1;
	(pc) =	sbr.rel @p1 .LBB2_3-.Ltmp2, $4  }
0x22: {  	[tilespmem:s25+$0x80] =	vst v0;
	v61 =	vshll.u32 v1, $0x1  }
0x23: {  	v62 =	vshll.u32 v2, $0x1;
	[tilespmem:s25+$0x90] =	vst v61  }
0x24: {  	v63 =	vshll.u32 v3, $0x1;
	[tilespmem:s25+$0xA0] =	vst v62  }
0x25: {  	p0 =	por $0x0, $0x0;
	[tilespmem:s25+$0xB0] =	vst v63;
	s25 =	simm.s32 $0x40  }
0x26: {  	[tilespmem:s15], [sflag:$0x1] =	stream.indirect.gather [hbm4b:s1+s14], $0x10, s14, s14, $0xb8;
	[tilespmem:$0x10300] =	vst v63  }
0x27: {  	_ =	swait.ge [sflag:s16], $0x800  }
0x28: {  	s24 =	sshll.u32 s24, $0x1;
	[sflag:s16] =	ssyncset.done $0x0  }
0x29: {  	s25 =	simm.s32 $0x0;
	s26 =	sadd.s32 s4, s24;
	[sflag:s16] =	ssyncadd.s32 $0xFFFFF800  }
0x2a: {  	[hbm4b:s26+s25] =	stream.linear.scatter [tilespmem:s15], [sflag:$0x4], $0x800, $0x38;
	[tilespmem:$0x10300] =	vst v63  }
0x2b: {  	_ =	swait.ge [sflag:s13], $0x800  }
0x2c: {  	[sflag:s13] =	ssyncset.done $0x0  }
0x2d: {  	p0 =	por $0x1, $0x1;
	[sflag:s13] =	ssyncadd.s32 $0xFFFFF800  }
.LBB2_5:
0x2e: {  	v0 =	vld [tilespmem:s25+$0x0];
	s26 =	sor.u32 $0x10, s25  }
0x2f: {  	s30 =	sor.u32 $0x20, s25;
	v1 =	vld [tilespmem:s26+$0x0]  }
0x30: {  	s31 =	sor.u32 $0x30, s25;
	v2 =	vld [tilespmem:s30+$0x0]  }
0x31: {  	v3 =	vld [tilespmem:s31+$0x0];
	_ =	sdelay $0x1  }
0x32: {  	p1 =	por p0, p0;
	v0 =	vshll.u32 v0, $0x1  }
.Ltmp3:
0x33: {  	v0 =	vor.u32 $0x1, v0;
	v1 =	vshll.u32 v1, $0x1;
	(pc) =	sbr.rel @p1 .LBB2_5-.Ltmp3, $4  }
0x34: {  	v60 =	vshll.u32 v2, $0x1;
	[tilespmem:s25+$0x80] =	vst v0;
	v59 =	vor.u32 $0x1, v1  }
0x35: {  	v62 =	vshll.u32 v3, $0x1;
	v61 =	vor.u32 $0x1, v60;
	[tilespmem:s25+$0x90] =	vst v59  }
0x36: {  	v63 =	vor.u32 $0x1, v62;
	[tilespmem:s25+$0xA0] =	vst v61  }
0x37: {  	p0 =	por $0x0, $0x0;
	[tilespmem:s25+$0xB0] =	vst v63;
	s25 =	simm.s32 $0x40  }
0x38: {  	[tilespmem:s15], [sflag:$0x1] =	stream.indirect.gather [hbm4b:s1+s14], $0x10, s14, s14, $0xb8;
	[tilespmem:$0x10300] =	vst v63  }
0x39: {  	s23 =	sadd.s32 $0x1, s23;
	_ =	swait.ge [sflag:s16], $0x800  }
0x3a: {  	p0 =	sne.s32 s23, $0x4;
	[sflag:s16] =	ssyncset.done $0x0  }
.Ltmp4:
0x3b: {  	s24 =	sadd.s32 s24, s9;
	[sflag:s16] =	ssyncadd.s32 $0xFFFFF800;
	(pc) =	sbr.rel @p0 .LBB2_2-.Ltmp4, $4  }
0x3c: {  	[hbm4b:s24+s5] =	stream.linear.scatter [tilespmem:s15], [sflag:$0x4], $0x800, $0x38;
	[tilespmem:$0x10300] =	vst v63  }
0x3d: {  	_ =	swait.ge [sflag:s13], $0x800  }
0x3e: {  	[sflag:s13] =	ssyncset.done $0x0  }
0x3f: {  	[sflag:s13] =	ssyncadd.s32 $0xFFFFF800  }
.Ltmp5:
0x40: {  	(pc) =	sbr.rel .LBB2_8-.Ltmp5, $3  }
0x41: {  	_ =	sdelay $0x1  }
0x42: {  	s23 =	simm.s32 $0x0  }
0x43: {  	[tilespmem:s17], [sflag:$0x2] =	stream.linear.gather [hbm4b:s10+s23], $0x7D00, $0x38;
	[tilespmem:$0x10300] =	vst v63  }
.LBB2_14:
0x44: {  	s23 =	sadd.s32 $0x1, s23  }
0x45: {  	p0 =	sne.s32 s23, $0x10  }
.Ltmp6:
0x46: {  	_ = 	snop;
	(pc) =	sbr.rel @!p0 .LBB2_15-.Ltmp6, $1  }
0x47: {  	_ =	sdelay $0x3  }
.LBB2_8:
0x48: {  	s25 =	sshll.u32 s23, $0x6  }
0x49: {  	s26 =	sor.u32 s25, s6  }
0x4a: {  	s24 =	sor.u32 $0x20, s26  }
0x4b: {  	p0 =	sgt.u32 s24, $0x3E7  }
0x4c: {  	s28 =	smul.u32 @!p0 $0xFA0, s24;
	_ =	sdelay $0x1  }
0x4d: {  	s29 =	simm.s32 @!p0 $0x0;
	s30 =	simm.s32 @!p0 $0x8600;
	s28 =	sadd.s32 @!p0 s1, s28  }
0x4e: {  	[tilespmem:s30], [sflag:$0x3] =	stream.linear.gather @!p0 [hbm4b:s28+s29], $0x7D00, $0x38;
	[tilespmem:$0x10300] =	vst v63  }
0x4f: {  	_ =	swait.ge [sflag:s18], $0x7D00  }
0x50: {  	[sflag:s18] =	ssyncset.done $0x0  }
0x51: {  	s28 =	simm.s32 $0x940;
	[sflag:s18] =	ssyncadd.s32 $0xFFFF8300  }
0x52: {  	v2 =	vld [tilespmem:s28+$0x30]  }
0x53: {  	v4 =	vld [tilespmem:s28+$0xFFFFFFD0]  }
0x54: {  	v6 =	vld [tilespmem:s28+$0xFFFFFFE0]  }
0x55: {  	v3 =	vld [tilespmem:s28+$0xFFFFFFF0]  }
0x56: {  	v1 =	vld [tilespmem:s28+$0x0]  }
0x57: {  	v0 =	vld [tilespmem:s28+$0x10];
	v7 =	vmul.f32 v2, v2  }
0x58: {  	v2 =	vld [tilespmem:s28+$0x20];
	v5 =	vmul.f32 v4, v4  }
0x59: {  	s29 =	simm.s32 $0x0;
	s30 =	simm.s32 $0x9C0;
	v4 =	vld [tilespmem:s28+$0xFFFFFFC0];
	v6 =	vmul.f32 v6, v6;
	[tilespmem:s28+$0x30] =	vst v7  }
.LBB2_9:
0x5a: {  	v7 =	vld [tilespmem:s30+$0x30];
	s29 =	sadd.s32 $0x8, s29;
	[tilespmem:s28+$0xFFFFFFD0] =	vst v5;
	v3 =	vmul.f32 v3, v3  }
0x5b: {  	v5 =	vld [tilespmem:s30+$0xFFFFFFD0];
	p1 =	slt.u32 s29, $0x7C8;
	[tilespmem:s28+$0xFFFFFFE0] =	vst v6;
	v1 =	vmul.f32 v1, v1  }
0x5c: {  	v6 =	vld [tilespmem:s30+$0xFFFFFFE0];
	[tilespmem:s28+$0xFFFFFFF0] =	vst v3;
	v0 =	vmul.f32 v0, v0  }
.Ltmp7:
0x5d: {  	v3 =	vld [tilespmem:s30+$0xFFFFFFF0];
	[tilespmem:s28+$0x0] =	vst v1;
	v2 =	vmul.f32 v2, v2;
	(pc) =	sbr.rel @p1 .LBB2_9-.Ltmp7, $4  }
0x5e: {  	v1 =	vld [tilespmem:s30+$0x0];
	v4 =	vmul.f32 v4, v4;
	[tilespmem:s28+$0x10] =	vst v0  }
0x5f: {  	v0 =	vld [tilespmem:s30+$0x10];
	v7 =	vmul.f32 v7, v7;
	[tilespmem:s28+$0x20] =	vst v2  }
0x60: {  	v5 =	vmul.f32 v5, v5;
	v2 =	vld [tilespmem:s30+$0x20];
	[tilespmem:s28+$0xFFFFFFC0] =	vst v4;
	s28 =	smov.u32 s30  }
0x61: {  	s30 =	sadd.s32 $0x80, s30;
	v4 =	vld [tilespmem:s28+$0xFFFFFFC0];
	v6 =	vmul.f32 v6, v6;
	[tilespmem:s28+$0x30] =	vst v7  }
0x62: {  	[tilespmem:s28+$0xFFFFFFD0] =	vst v5;
	v3 =	vmul.f32 v3, v3  }
0x63: {  	[tilespmem:s28+$0xFFFFFFE0] =	vst v6;
	v1 =	vmul.f32 v1, v1  }
0x64: {  	p1 =	seq.s32 s23, $0xF;
	[tilespmem:s28+$0xFFFFFFF0] =	vst v3;
	v0 =	vmul.f32 v0, v0  }
0x65: {  	s25 =	sadd.s32 @!p1 s11, s25;
	[tilespmem:s28+$0x0] =	vst v1;
	v62 =	vmul.f32 v2, v2  }
0x66: {  	s26 =	smul.u32 $0xFA0, s26;
	p2 =	sgt.u32 @!p1 s25, $0x3E7;
	v63 =	vmul.f32 v4, v4;
	[tilespmem:s28+$0x10] =	vst v0  }
0x67: {  	p1 =	por p2, p1;
	[tilespmem:s28+$0x20] =	vst v62  }
0x68: {  	s26 =	sadd.s32 s7, s26;
	s25 =	smul.u32 @!p1 $0xFA0, s25;
	[tilespmem:s28+$0xFFFFFFC0] =	vst v63  }
0x69: {  	[hbm4b:s26+s5] =	stream.linear.scatter [tilespmem:s17], [sflag:$0x5], $0x7D00, $0x38;
	[tilespmem:$0x10300] =	vst v63  }
.Ltmp8:
0x6a: {  	_ = 	snop;
	(pc) =	sbr.rel @p0 .LBB2_14-.Ltmp8, $4  }
0x6b: {  	_ =	swait.ge [sflag:s19], $0x7D00  }
0x6c: {  	s25 =	sadd.s32 @!p1 s1, s25;
	[sflag:s19] =	ssyncset.done $0x0  }
0x6d: {  	s28 =	simm.s32 @!p1 $0x900;
	s26 =	simm.s32 @!p1 $0x0;
	[sflag:s19] =	ssyncadd.s32 $0xFFFF8300  }
0x6e: {  	[tilespmem:s28], [sflag:$0x2] =	stream.linear.gather @!p1 [hbm4b:s25+s26], $0x7D00, $0x38;
	[tilespmem:$0x10300] =	vst v63  }
0x6f: {  	_ =	swait.ge [sflag:s20], $0x7D00  }
0x70: {  	[sflag:s20] =	ssyncset.done $0x0  }
0x71: {  	s25 =	simm.s32 $0x8640;
	[sflag:s20] =	ssyncadd.s32 $0xFFFF8300  }
0x72: {  	v2 =	vld [tilespmem:s25+$0x30]  }
0x73: {  	v4 =	vld [tilespmem:s25+$0xFFFFFFD0]  }
0x74: {  	v6 =	vld [tilespmem:s25+$0xFFFFFFE0]  }
0x75: {  	v3 =	vld [tilespmem:s25+$0xFFFFFFF0]  }
0x76: {  	v1 =	vld [tilespmem:s25+$0x0]  }
0x77: {  	v0 =	vld [tilespmem:s25+$0x10];
	v7 =	vmul.f32 v2, v2  }
0x78: {  	v2 =	vld [tilespmem:s25+$0x20];
	v5 =	vmul.f32 v4, v4  }
0x79: {  	s26 =	simm.s32 $0x0;
	s28 =	simm.s32 $0x86C0;
	v4 =	vld [tilespmem:s25+$0xFFFFFFC0];
	v6 =	vmul.f32 v6, v6;
	[tilespmem:s25+$0x30] =	vst v7  }
.LBB2_12:
0x7a: {  	v7 =	vld [tilespmem:s28+$0x30];
	s26 =	sadd.s32 $0x8, s26;
	[tilespmem:s25+$0xFFFFFFD0] =	vst v5;
	v3 =	vmul.f32 v3, v3  }
0x7b: {  	v5 =	vld [tilespmem:s28+$0xFFFFFFD0];
	p0 =	slt.u32 s26, $0x7C8;
	[tilespmem:s25+$0xFFFFFFE0] =	vst v6;
	v1 =	vmul.f32 v1, v1  }
0x7c: {  	v6 =	vld [tilespmem:s28+$0xFFFFFFE0];
	[tilespmem:s25+$0xFFFFFFF0] =	vst v3;
	v0 =	vmul.f32 v0, v0  }
.Ltmp9:
0x7d: {  	v3 =	vld [tilespmem:s28+$0xFFFFFFF0];
	[tilespmem:s25+$0x0] =	vst v1;
	v2 =	vmul.f32 v2, v2;
	(pc) =	sbr.rel @p0 .LBB2_12-.Ltmp9, $4  }
0x7e: {  	v1 =	vld [tilespmem:s28+$0x0];
	v4 =	vmul.f32 v4, v4;
	[tilespmem:s25+$0x10] =	vst v0  }
0x7f: {  	v0 =	vld [tilespmem:s28+$0x10];
	v7 =	vmul.f32 v7, v7;
	[tilespmem:s25+$0x20] =	vst v2  }
0x80: {  	v5 =	vmul.f32 v5, v5;
	v2 =	vld [tilespmem:s28+$0x20];
	[tilespmem:s25+$0xFFFFFFC0] =	vst v4;
	s25 =	smov.u32 s28  }
0x81: {  	s28 =	sadd.s32 $0x80, s28;
	v4 =	vld [tilespmem:s25+$0xFFFFFFC0];
	v6 =	vmul.f32 v6, v6;
	[tilespmem:s25+$0x30] =	vst v7  }
0x82: {  	[tilespmem:s25+$0xFFFFFFD0] =	vst v5;
	v3 =	vmul.f32 v3, v3  }
0x83: {  	[tilespmem:s25+$0xFFFFFFE0] =	vst v6;
	v1 =	vmul.f32 v1, v1  }
0x84: {  	[tilespmem:s25+$0xFFFFFFF0] =	vst v3;
	v0 =	vmul.f32 v0, v0  }
0x85: {  	[tilespmem:s25+$0x0] =	vst v1;
	v62 =	vmul.f32 v2, v2  }
0x86: {  	s24 =	smul.u32 $0xFA0, s24;
	v63 =	vmul.f32 v4, v4;
	[tilespmem:s25+$0x10] =	vst v0  }
0x87: {  	[tilespmem:s25+$0x20] =	vst v62  }
.Ltmp10:
0x88: {  	s24 =	sadd.s32 s7, s24;
	[tilespmem:s25+$0xFFFFFFC0] =	vst v63;
	(pc) =	sbr.rel .LBB2_14-.Ltmp10, $4  }
0x89: {  	[hbm4b:s24+s5] =	stream.linear.scatter [tilespmem:s21], [sflag:$0x4], $0x7D00, $0x38;
	[tilespmem:$0x10300] =	vst v63  }
0x8a: {  	_ =	swait.ge [sflag:s13], $0x7D00  }
0x8b: {  	[sflag:s13] =	ssyncset.done $0x0  }
0x8c: {  	[sflag:s13] =	ssyncadd.s32 $0xFFFF8300  }
.LBB2_16:
0x8d: {  	_ =	sfence.sel $0x180000  }
0x8e: {  	[bflag:$0x0] =	sbarrier.arrive $0xFFFF  }
0x8f: {  	p0 =	sne.s32 s2, $0x0;
	_ =	strace $0x90000047  }
0x90: {  	s0 =	sadd.s32 @!p0 $0x100000, s0;
	[bflag:$0x2] =	sbarrier.arrive $0xFFFF  }
0x91: {  	[sflag:s0] =	ssyncadd.tile.s32 @!p0 $0x1;
	_ =	shalt  }
.Lfunc_end2:
_tile_overlayer_lowered:
.L_overlay_start_2:
0x92: {  	(tag) =	ssettag $0x2  }
0x93: {  	s0 =	rddreg [dreg:$0x0];
	s2 =	stileid.u32  }
0x94: {  	s1 =	rddreg [dreg:$0x1];
	p0 =	sne.s32 s2, $0x0  }
0x95: {  	s3 =	rddreg [dreg:$0x2];
	[bflag:$0x3] =	sbarrier.arrive $0xFFFF;
	s2 =	simm.s32 @!p0 $0x1C04  }
0x96: {  	[timem:s3], [sflag:s2] =	dma.local @!p0 [hbm:s0], s1  }
0x97: {  	s0 =	simm.s32 @!p0 $0x4  }
0x98: {  	_ =	swait.ge @!p0 [sflag:s0], s1  }
0x99: {  	s1 =	ssub.s32 @!p0 $0x0, s1;
	[sflag:s0] =	ssyncset.done @!p0 $0x0  }
0x9a: {  	[sflag:s0] =	ssyncadd.s32 @!p0 s1  }
0x9b: {  	[bflag:$0x3] =	sbarrier.arrive $0xFFFF  }
0x9c: {  	_ =	shalt  }

// kernel: sparse-core-data-format-call.cloned.1.call-start
scs
called_computation_lowered:
.L_overlay_start_0:
0x0: {  	s2 =	sld [smem:$0x3FD9]  }
0x1: {  	s3 =	sld [smem:$0x3FFE];
	_ =	sdelay $0x1  }
0x2: {  	s1 =	srdreg.scid  }
0x3: {  	s0 =	sand.u32 $0x1, s1  }
0x4: {  	s15 =	sshll.u32 s0, $0xA;
	s2 =	sadd.s32 s3, s2  }
0x5: {  	s2 =	sadd.s32 s2, s15  }
0x6: {  	[smem:$0x3FC6] =	sst s2  }
0x7: {  	_ = 	snop  }
0x8: {  	s2 =	sld [smem:$0x3FD0];
	_ =	sdelay $0x2  }
0x9: {  	s16 =	simm.s32 $0xA;
	s4 =	simm.s32 $0x10  }
0xa: {  	[smem:s4], [sflag:s16] =	dma.local [hbm:s2], $0x1  }
0xb: {  	_ =	swait.eq [sflag:s16], $0x1  }
0xc: {  	[sflag:s16] =	ssyncset.done $0x0  }
0xd: {  	[sflag:s16] =	ssyncadd.s32 $0xFFFFFFFF  }
0xe: {  	s17 =	sld [smem:$0x11];
	(tm) =	ssettm $0x1  }
0xf: {  	s18 =	sld [smem:$0x3FFB];
	_ =	sdelay $0x3  }
0x10: {  	_ =	strace s18  }
0x11: {  	s3 =	sld [smem:$0x3FFC];
	_ =	sdelay $0x3  }
0x12: {  	_ =	strace s3  }
0x13: {  	s3 =	sld [smem:$0x3FFD];
	_ =	sdelay $0x3  }
0x14: {  	_ =	strace s3  }
0x15: {  	_ =	strace $0x8FFFFFFF  }
0x16: {  	s19 =	sld [smem:$0x3FDB];
	_ =	sdelay $0x1  }
0x17: {  	s20 =	simm.s32 $_scs_section_size  }
0x18: {  	s5 =	simm.s32 $_size__tile_overlayer_lowered;
	s6 =	simm.s32 $_tile_overlayer_lowered  }
0x19: {  	s23 =	simm.s32 $0x1BFF;
	s22 =	sshll.u32 s6, $0x1;
	s3 =	sadd.s32 s20, s19  }
0x1a: {  	s7 =	simm.s32 $0x0;
	s21 =	sshll.u32 s5, $0x1;
	s5 =	sadd.s32 s22, s3  }
0x1b: {  	[timem:s7], [sflag:s23] =	dma.local [hbm:s5], s21  }
0x1c: {  	_ =	swait.ge [sflag:s23], s21  }
0x1d: {  	s4 =	ssub.s32 $0x0, s21;
	[sflag:s23] =	ssyncset.done $0x0  }
0x1e: {  	[sflag:s23] =	ssyncadd.s32 s4;
	_ =	sdelay $0x1  }
0x1f: {  	s24 =	simm.s32 $0x1B8B  }
0x20: {  	_ =	swait.ge [sflag:s24], $0x1  }
0x21: {  	[sflag:s24] =	ssyncset.done $0x0  }
0x22: {  	s26 =	simm.s32 $0x1B8E;
	s25 =	sld [smem:$0x3FFE];
	[sflag:s24] =	ssyncadd.s32 $0xFFFFFFFF  }
0x23: {  	s27 =	simm.s32 $execute0_lowered;
	[smem:$0x3FD2] =	sst s26  }
0x24: {  	s5 =	sshll.u32 s27, $0x1;
	_ =	strace $0x80000049;
	[dreg:$0x1] =	wrdreg $0xFFFFFFFF  }
0x25: {  	s28 =	simm.s32 $_size_execute0_lowered;
	s3 =	sadd.s32 s3, s5;
	[dreg:$0x0] =	wrdreg $0x0  }
0x26: {  	s5 =	sshll.u32 s28, $0x1;
	[dreg:$0x2] =	wrdreg s3  }
0x27: {  	[dreg:$0x3] =	wrdreg s5  }
0x28: {  	[dreg:$0x4] =	wrdreg $0xC0  }
0x29: {  	_ =	task [dreg:s7], $0x5FFFF  }
0x2a: {  	[dreg:$0x1] =	wrdreg $0xFFFFFFFF  }
0x2b: {  	[dreg:$0x0] =	wrdreg $0x60  }
0x2c: {  	[dreg:$0x2] =	wrdreg s25  }
0x2d: {  	[dreg:$0x3] =	wrdreg s17  }
0x2e: {  	[dreg:$0x4] =	wrdreg $0x9  }
0x2f: {  	_ =	task.clear_ibuf [dreg:s7], $0x5FFFF;
	_ =	strace $0x90000049  }
0x30: {  	s29 =	simm.s32 $0x9;
	_ =	strace $0x8000004B  }
0x31: {  	_ =	swait.ge [sflag:s29], $0x1  }
0x32: {  	[sflag:s29] =	ssyncadd.s32 $0xFFFFFFFF  }
0x33: {  	_ =	strace $0x9000004B  }
0x34: {  	_ =	sfence  }
0x35: {  	s30 =	sld [smem:$0x0];
	_ =	sdelay $0x2  }
0x36: {  	s31 =	sshll.u32 s1, $0xD;
	s1 =	sshrl.u32 s1, $0x2  }
0x37: {  	s3 =	sand.u32 $0x4000, s31;
	s1 =	sadd.s32 s1, s30  }
0x38: {  	s0 =	sor.u32 s3, s0;
	s1 =	sshll.u32 s1, $0x11  }
0x39: {  	s0 =	sor.u32 s1, s0  }
0x3a: {  	s0 =	sadd.s32 $0x8F2B, s0  }
0x3b: {  	[sflag:s0] =	ssyncadd.remote.s32 $0x1  }
0x3c: {  	_ =	sfence.sel $0xFFFF  }
0x3d: {  	[dreg:$0x0] =	wrdreg $0xFFFFFFFF;
	(pc) =	sbr.abs _section_cstart, $3  }
0x3e: {  	[dreg:$0x1] =	wrdreg $0xFFFFFFFF  }
0x3f: {  	_ =	task.clear_ibuf [dreg:s7], $0x2FFFF;
	_ =	strace $0x9FFFFFFF  }
0x40: {  	(tm) =	ssettm $0x7FFFFFFF  }
0x41: {  	_ =	shalt  }
tec
execute0_lowered:
.L_overlay_start_1:
0x0: {  	(tag) =	ssettag $0x1  }
0x1: {  	s4 =	rddreg [dreg:$0x0]  }
0x2: {  	s0 =	srdreg.scid;
	s2 =	rddreg [dreg:$0x1]  }
0x3: {  	s1 =	stileid.u32;
	s5 =	simm.s32 $0x1;
	s0 =	sshll.u32 s0, $0x4  }
0x4: {  	s7 =	simm.s32 $0x2;
	s11 =	simm.s32 $0x0;
	s3 =	sand.u32 $0x10, s0  }
.Ltmp0:
0x5: {  	p0 =	por $0x0, $0x0;
	s3 =	sor.u32 s1, s3;
	(pc) =	sbr.rel .LBB1_1-.Ltmp0, $4  }
0x6: {  	s8 =	simm.s32 $0x7A1400;
	s10 =	simm.s32 $0x0;
	s3 =	sshll.u32 s3, $0x7  }
0x7: {  	s0 =	rddreg [dreg:$0x2];
	_ =	strace $0x8000004A;
	s6 =	ssub.s32 $0xF4200, s3  }
0x8: {  	s4 =	sadd.s32 $0x3D1800, s4;
	[sflag:s5] =	ssyncpa.u1 $0x0;
	s6 =	sshrl.u32 s6, $0xC  }
0x9: {  	[sflag:s7] =	ssyncpa.u1 $0x0;
	s9 =	smov.u32 s3;
	s7 =	sadd.s32 $0x2, s6  }
.LBB1_5:
0xa: {  	s13 =	sadd.s32 $0x1000, s9  }
0xb: {  	p2 =	sgt.s32 s13, $0xF423F  }
0xc: {  	s13 =	smov.u32 @p2 s3;
	p2 =	sne.s32 s10, s7  }
.Ltmp1:
0xd: {  	p1 =	slt.u32 s10, $0x2;
	(pc) =	sbr.rel @!p2 .LBB1_6-.Ltmp1, $4  }
0xe: {  	s12 =	simm.s32 @!p1 $0x2  }
0xf: {  	s14 =	sadd.s32 $0x1, s10;
	_ =	swait.ge @!p1 [sflag:s12], $0x1000  }
0x10: {  	s11 =	smov.u32 s9;
	p0 =	por !p0, !p0;
	[sflag:s12] =	ssyncset.done @!p1 $0x0  }
0x11: {  	s10 =	smov.u32 s14;
	s9 =	smov.u32 s13;
	[sflag:s12] =	ssyncadd.s32 @!p1 $0xFFFFF000  }
.LBB1_1:
0x12: {  	p1 =	sgt.u32 s10, s6  }
0x13: {  	s13 =	smov.u32 s9;
	p2 =	sgt.s32 @!p1 s9, $0xF41C0  }
0x14: {  	s12 =	sand.u32 @!p1 $0x1FFFFFF, s9;
	s14 =	sshra.s32 @!p1 s9, $0x1F;
	p2 =	por !p2, p1  }
0x15: {  	s15 =	smulhi.u32 @!p1 $0x218DEF5, s12;
	s14 =	sand.u32 @!p1 s14, s9;
	s13 =	simm.s32 @p2 $0xF41C0  }
0x16: {  	s13 =	ssub.s32 @!p1 s13, s14  }
0x17: {  	s14 =	sshrl.u32 @!p1 s15, $0xD;
	s13 =	sadd.s32 @!p1 $0xFFF0BE40, s13  }
0x18: {  	s15 =	sxor.u32 @!p1 $0xFFFFFFFF, s10;
	s14 =	smul.u32 @!p1 $0xF4240, s14;
	s16 =	sshll.u32 @!p1 s13, $0x5  }
0x19: {  	s15 =	sshll.u32 @!p1 s15, $0xC;
	p2 =	sgt.s32 @!p1 s13, $0x7F;
	s13 =	ssub.s32 @!p1 $0x1000, s16  }
0x1a: {  	s12 =	ssub.s32 @!p1 s12, s14;
	p2 =	por !p2, p1;
	s14 =	sand.u32 @!p1 $0x1000, s15  }
0x1b: {  	s15 =	simm.s32 @!p1 $0x20;
	s13 =	sand.u32 @!p1 $0x3FFFFFE0, s13;
	s12 =	sshll.u32 @!p1 s12, $0x4  }
0x1c: {  	s16 =	simm.s32 @!p1 $0x80;
	s13 =	simm.s32 @!p2 $0x0;
	s12 =	sadd.s32 @!p1 s4, s12  }
0x1d: {  	[tilespmem:s14], [sflag:$0x1] =	stream.strided.gather @!p1 [hbm4b:s12+s15], s13, s16, s15, $0x38;
	[tilespmem:$0x4040] =	vst v63  }
0x1e: {  	p1 =	seq.s32 s10, $0x0  }
0x1f: {  	p2 =	sge.u32 @!p1 s10, s7  }
0x20: {  	p1 =	por p1, p2  }
.Ltmp2:
0x21: {  	_ = 	snop;
	(pc) =	sbr.rel @p1 .LBB1_5-.Ltmp2, $1  }
0x22: {  	_ =	sdelay $0x3  }
0x23: {  	p1 =	sgt.s32 s11, $0xF41C0;
	s12 =	smov.u32 s11;
	s13 =	sshra.s32 s11, $0x1F  }
0x24: {  	s12 =	simm.s32 @!p1 $0xF41C0;
	s13 =	sand.u32 s13, s11  }
0x25: {  	s12 =	ssub.s32 s12, s13  }
0x26: {  	s12 =	sadd.s32 $0xFFF0BE40, s12  }
0x27: {  	s28 =	sshll.u32 s12, $0x5  }
0x28: {  	s13 =	ssub.s32 $0x1000, s28  }
0x29: {  	p1 =	sgt.s32 s12, $0x7F;
	s12 =	sand.u32 $0x3FFFFFE0, s13  }
0x2a: {  	s13 =	simm.s32 $0x1;
	s12 =	simm.s32 @p1 $0x0  }
0x2b: {  	s13 =	simm.s32 @!p0 $0x0;
	_ =	swait.ge [sflag:s5], s12  }
0x2c: {  	s14 =	sshll.u32 s13, $0xC;
	s12 =	ssub.s32 $0x0, s12;
	[sflag:s5] =	ssyncset.done $0x0  }
0x2d: {  	s16 =	sor.u32 $0x10, s14;
	[sflag:s5] =	ssyncadd.s32 s12  }
0x2e: {  	s29 =	smul.u32 $0x4080, s13;
	v1 =	vld [tilespmem:s16+$0x0]  }
0x2f: {  	s30 =	sand.u32 $0x1, s10;
	v0 =	vld [tilespmem:s16+$0xFFFFFFF0]  }
0x30: {  	s13 =	smul.u32 $0x4080, s30;
	s12 =	sshrl.u32 s29, $0x2  }
0x31: {  	s14 =	sor.u32 $0x2000, s12  }
0x32: {  	s31 =	sshrl.u32 s13, $0x2;
	s13 =	sadd.s32 $0x0, s14  }
0x33: {  	s15 =	simm.s32 $0x4;
	s12 =	sor.u32 $0x2000, s31;
	s16 =	sadd.s32 $0x20, s16;
	[tilespmem:s13+$0x810 ss:$0x81] =	vst.msk $0xffff, v1  }
.LBB1_3:
0x34: {  	v1 =	vld [tilespmem:s16+$0x0];
	p1 =	sne.s32 s15, $0x1FC;
	[tilespmem:s13+$0x0 ss:$0x81] =	vst.msk $0xffff, v0;
	s13 =	smov.u32 s15;
	s15 =	sadd.s32 $0x4, s15  }
.Ltmp3:
0x35: {  	v0 =	vld [tilespmem:s16+$0xFFFFFFF0];
	(pc) =	sbr.rel @p1 .LBB1_3-.Ltmp3, $4  }
0x36: {  	_ = 	snop  }
0x37: {  	s13 =	sshra.s32 s13, $0x2  }
0x38: {  	s13 =	sadd.s32 s13, s14  }
0x39: {  	s16 =	sadd.s32 $0x20, s16;
	[tilespmem:s13+$0x810 ss:$0x81] =	vst.msk $0xffff, v1  }
0x3a: {  	s14 =	sshll.u32 s11, $0x3  }
0x3b: {  	s30 =	sand.u32 $0x7F, s11;
	s14 =	sand.u32 $0xFFFFFC00, s14  }
0x3c: {  	s11 =	sor.u32 s30, s14  }
0x3d: {  	s15 =	smulhi.u32 $0x218D6287, s11;
	_ =	sdelay $0x1  }
0x3e: {  	s14 =	smulhi.u32 $0x218D6287, s14;
	s15 =	sshrl.u32 s15, $0x11  }
0x3f: {  	s15 =	smul.u32 $0xF4280, s15  }
0x40: {  	s14 =	sshrl.u32 s14, $0x11  }
.Ltmp4:
0x41: {  	s14 =	sand.u32 $0x1F, s14;
	s11 =	ssub.s32 s11, s15;
	(pc) =	sbr.rel .LBB1_5-.Ltmp4, $4  }
0x42: {  	s14 =	smul.u32 $0x1E850, s14;
	s15 =	sshrl.u32 s11, $0x3;
	s11 =	sand.u32 $0x7, s11  }
0x43: {  	s15 =	sadd.s32 s2, s15;
	s11 =	sshll.u32 s11, $0x12  }
0x44: {  	[tilespmem:s13+$0x0 ss:$0x81] =	vst.msk $0xffff, v0;
	s31 =	sadd.s32 s14, s15;
	s11 =	sor.u32 $0x400, s11  }
0x45: {  	[hbm4b:s31+s11] =	stream.strided.scatter [tilespmem:s12], [sflag:$0x2], $0x1000, s8, s11, $0x20;
	[tilespmem:$0x4040] =	vst v63  }
.LBB1_6:
0x46: {  	_ =	sfence.sel $0x180000  }
0x47: {  	s2 =	simm.s32 $0x1;
	[bflag:$0x0] =	sbarrier.arrive $0xFFFF  }
0x48: {  	s31 =	simm.s32 $0x2;
	[sflag:s2] =	ssyncpa.u1 $0x1  }
0x49: {  	[sflag:s31] =	ssyncpa.u1 $0x1  }
0x4a: {  	p0 =	sne.s32 s1, $0x0;
	_ =	strace $0x9000004A  }
0x4b: {  	s0 =	sadd.s32 @!p0 $0x100000, s0;
	[bflag:$0x2] =	sbarrier.arrive $0xFFFF  }
0x4c: {  	[sflag:s0] =	ssyncadd.tile.s32 @!p0 $0x1;
	_ =	shalt  }
.Lfunc_end1:
_tile_overlayer_lowered:
.L_overlay_start_2:
0x4d: {  	(tag) =	ssettag $0x2  }
0x4e: {  	s0 =	rddreg [dreg:$0x0];
	s2 =	stileid.u32  }
0x4f: {  	s1 =	rddreg [dreg:$0x1];
	p0 =	sne.s32 s2, $0x0  }
0x50: {  	s3 =	rddreg [dreg:$0x2];
	[bflag:$0x3] =	sbarrier.arrive $0xFFFF;
	s2 =	simm.s32 @!p0 $0x1C01  }
0x51: {  	[timem:s3], [sflag:s2] =	dma.local @!p0 [hbm:s0], s1  }
0x52: {  	s0 =	simm.s32 @!p0 $0x1  }
0x53: {  	_ =	swait.ge @!p0 [sflag:s0], s1  }
0x54: {  	s1 =	ssub.s32 @!p0 $0x0, s1;
	[sflag:s0] =	ssyncset.done @!p0 $0x0  }
0x55: {  	[sflag:s0] =	ssyncadd.s32 @!p0 s1  }
0x56: {  	[bflag:$0x3] =	sbarrier.arrive $0xFFFF  }
0x57: {  	_ =	shalt  }

</sc_bundles>
